<compile_context>
chip_gen: v7x
topology: tpu7x:2x2x1
jax: 0.10.2.dev20260603
libtpu: 0.0.44.dev20260713+nightly
codegen_flags: <defaults>
</compile_context>

<pallas_src>
import functools
import math

import jax
import jax.numpy as jnp
from jax import lax
from jax.experimental import pallas as pl
from jax.experimental.pallas import tpu as pltpu
from jax.experimental.pallas import tpu_sc as plsc

B = 16384
NUM_CORES = 2
NUM_SUBCORES = 16
NUM_WORKERS = NUM_CORES * NUM_SUBCORES
B_PER_W = B // NUM_WORKERS
HALF = B_PER_W // 2
LANES = 16
SCALE = math.log(10.0) / 400.0

_mesh = plsc.VectorSubcoreMesh(core_axis_name="c", subcore_axis_name="s",
                               num_cores=NUM_CORES, num_subcores=NUM_SUBCORES)


@functools.partial(
    pl.kernel,
    mesh=_mesh,
    out_type=jax.ShapeDtypeStruct((B,), jnp.float32),
    scratch_types=[
        pltpu.VMEM((2 * B_PER_W,), jnp.int32),
        pltpu.VMEM((2 * B_PER_W,), jnp.float32),
        pltpu.SemaphoreType.DMA,
        pltpu.SemaphoreType.DMA,
        pltpu.SemaphoreType.DMA,
    ],
)
def _elo_sc(rating_hbm, home_hbm, away_hbm, out_hbm,
            idx, val, iosem, gsem0, gsem1):
    wid = lax.axis_index("s") * NUM_CORES + lax.axis_index("c")
    base = wid * B_PER_W
    W = B_PER_W
    hicp = pltpu.async_copy(home_hbm.at[pl.ds(base, W)],
                            idx.at[pl.ds(0, W)], iosem)
    aicp = pltpu.async_copy(away_hbm.at[pl.ds(base, W)],
                            idx.at[pl.ds(W, W)], iosem)
    hicp.wait()
    aicp.wait()
    hcp0 = pltpu.async_copy(rating_hbm.at[idx.at[pl.ds(0, HALF)]],
                            val.at[pl.ds(0, HALF)], gsem0)
    acp0 = pltpu.async_copy(rating_hbm.at[idx.at[pl.ds(W, HALF)]],
                            val.at[pl.ds(W, HALF)], gsem0)
    hcp1 = pltpu.async_copy(rating_hbm.at[idx.at[pl.ds(HALF, HALF)]],
                            val.at[pl.ds(HALF, HALF)], gsem1)
    acp1 = pltpu.async_copy(rating_hbm.at[idx.at[pl.ds(W + HALF, HALF)]],
                            val.at[pl.ds(W + HALF, HALF)], gsem1)

    def sigmoid_chunk(i):
        sl = pl.ds(i * LANES, LANES)
        x = (val[sl] - val[pl.ds(W + i * LANES, LANES)]) * SCALE
        val[sl] = 1.0 / (1.0 + jnp.exp(x))

    hcp0.wait()
    acp0.wait()
    plsc.parallel_loop(0, HALF // LANES, unroll=4)(sigmoid_chunk)
    ocp0 = pltpu.async_copy(val.at[pl.ds(0, HALF)],
                            out_hbm.at[pl.ds(base, HALF)], iosem)
    hcp1.wait()
    acp1.wait()
    plsc.parallel_loop(HALF // LANES, B_PER_W // LANES, unroll=4)(sigmoid_chunk)
    ocp1 = pltpu.async_copy(val.at[pl.ds(HALF, HALF)],
                            out_hbm.at[pl.ds(base + HALF, HALF)], iosem)
    ocp0.wait()
    ocp1.wait()


def kernel(rating, home, away):
    return _elo_sc(rating, home.astype(jnp.int32), away.astype(jnp.int32))

# --- scband reference (transcript-rebuilt; emitter-appended) ---
"""Pipeline reference for scband-elo-manual-7739531067840 (READ-ONLY COPY).

The authoritative reference and input builder live on the scoring server;
editing this copy changes nothing except your own understanding.
"""

import jax, jax.numpy as jnp
import numpy as np

TEAM_COUNT = 1000000
DEFAULT = 1000.0
C = 10.0
D = 400.0
B = 16384


def setup_inputs(seed: int = 0) -> dict:
    key = jax.random.key(seed)
    k1, k2 = jax.random.split(key)
    home = jax.random.randint(k1, (B,), 0, TEAM_COUNT)
    away = jax.random.randint(k2, (B,), 0, TEAM_COUNT)
    # rating table is the module's persistent state (np.zeros + default)
    rating = jnp.zeros((TEAM_COUNT,), dtype=jnp.float32) + DEFAULT
    return {"rating": rating, "home": home, "away": away}


def reference(rating, home, away):
    # forward: gather home/away ratings and compute expected home score
    home_rating = jnp.take(rating, home, axis=0)
    away_rating = jnp.take(rating, away, axis=0)
    # faithful to original: 1 / (1 + c ** ((home_rating - away_rating) / d))
    E_H = 1.0 / (1.0 + jnp.power(C, (home_rating - away_rating) / D))
    return E_H

if __name__ == "__main__":
    import jax
    _d = setup_inputs()
    print(jax.jit(kernel)(*tuple(_d.values())))

</pallas_src>

<mosaic_0001>
#map = affine_map<(d0, d1) -> (0)>
module attributes {stable_mosaic.version = 14 : i64} {
  func.func @_elo_sc(%arg0: i32, %arg1: i32, %arg2: memref<1000000xf32, #tpu.memory_space<hbm>>, %arg3: memref<16384xi32, #tpu.memory_space<hbm>>, %arg4: memref<16384xi32, #tpu.memory_space<hbm>>, %arg5: memref<16384xf32, #tpu.memory_space<hbm>>, %arg6: memref<1024xi32, #tpu.memory_space<vmem>>, %arg7: memref<1024xf32, #tpu.memory_space<vmem>>, %arg8: memref<!tpu.dma_semaphore, #tpu.memory_space<semaphore_mem>>, %arg9: memref<!tpu.dma_semaphore, #tpu.memory_space<semaphore_mem>>, %arg10: memref<!tpu.dma_semaphore, #tpu.memory_space<semaphore_mem>>) attributes {dimension_semantics = [#tpu.dimension_semantics<core_parallel>, #tpu.dimension_semantics<subcore_parallel>], iteration_bounds = array<i64: 2, 16>, scalar_prefetch = 0 : i64, scratch_operands = 5 : i64, tpu.core_type = #tpu.core_type<sc_vector_subcore>, window_params = [{transform_indices = #map}, {transform_indices = #map}, {transform_indices = #map}, {transform_indices = #map}]} {
    %mul3A = arith.constant 2 : i32
    %mul3A_0 = arith.muli %arg1, %mul3A : i32
    %add3A = arith.addi %mul3A_0, %arg0 : i32
    %mul3A_1 = arith.constant 512 : i32
    %mul3A_2 = arith.muli %add3A, %mul3A_1 : i32
    %dma_start3A = arith.constant 0 : i32
    %dma_start3A_3 = tpu.memref_slice %arg6[%dma_start3A] : memref<1024xi32, #tpu.memory_space<vmem>> -> memref<512xi32, #tpu.memory_space<vmem>>
    %dma_start3A_4 = tpu.memref_slice %arg3[%mul3A_2] : memref<16384xi32, #tpu.memory_space<hbm>> -> memref<512xi32, #tpu.memory_space<hbm>>
    %dma_start3A_5 = arith.constant 0 : i32
    %dma_start3A_6 = tpu.memref_slice %arg6[%dma_start3A_5] : memref<1024xi32, #tpu.memory_space<vmem>> -> memref<512xi32, #tpu.memory_space<vmem>>
    %dma_start3A_7 = tpu.memref_slice %arg3[%mul3A_2] : memref<16384xi32, #tpu.memory_space<hbm>> -> memref<512xi32, #tpu.memory_space<hbm>>
    tpu.enqueue_dma source(%dma_start3A_7 : memref<512xi32, #tpu.memory_space<hbm>>) target(%dma_start3A_6 : memref<512xi32, #tpu.memory_space<vmem>>) target_semaphore(%arg8 : memref<!tpu.dma_semaphore, #tpu.memory_space<semaphore_mem>>)
    %dma_start3A_8 = arith.constant 512 : i32
    %dma_start3A_9 = tpu.memref_slice %arg6[%dma_start3A_8] : memref<1024xi32, #tpu.memory_space<vmem>> -> memref<512xi32, #tpu.memory_space<vmem>>
    %dma_start3A_10 = tpu.memref_slice %arg4[%mul3A_2] : memref<16384xi32, #tpu.memory_space<hbm>> -> memref<512xi32, #tpu.memory_space<hbm>>
    %dma_start3A_11 = arith.constant 512 : i32
    %dma_start3A_12 = tpu.memref_slice %arg6[%dma_start3A_11] : memref<1024xi32, #tpu.memory_space<vmem>> -> memref<512xi32, #tpu.memory_space<vmem>>
    %dma_start3A_13 = tpu.memref_slice %arg4[%mul3A_2] : memref<16384xi32, #tpu.memory_space<hbm>> -> memref<512xi32, #tpu.memory_space<hbm>>
    tpu.enqueue_dma source(%dma_start3A_13 : memref<512xi32, #tpu.memory_space<hbm>>) target(%dma_start3A_12 : memref<512xi32, #tpu.memory_space<vmem>>) target_semaphore(%arg8 : memref<!tpu.dma_semaphore, #tpu.memory_space<semaphore_mem>>)
    %dma_wait3A = arith.constant 0 : i32
    %dma_wait3A_14 = tpu.memref_slice %arg6[%dma_wait3A] : memref<1024xi32, #tpu.memory_space<vmem>> -> memref<512xi32, #tpu.memory_space<vmem>>
    %dma_wait3A_15 = tpu.memref_slice %arg3[%mul3A_2] : memref<16384xi32, #tpu.memory_space<hbm>> -> memref<512xi32, #tpu.memory_space<hbm>>
    %dma_wait3A_16 = arith.constant 0 : i32
    %dma_wait3A_17 = tpu.memref_slice %arg6[%dma_wait3A_16] : memref<1024xi32, #tpu.memory_space<vmem>> -> memref<512xi32, #tpu.memory_space<vmem>>
    %dma_wait3A_18 = tpu.memref_slice %arg3[%mul3A_2] : memref<16384xi32, #tpu.memory_space<hbm>> -> memref<512xi32, #tpu.memory_space<hbm>>
    tpu.wait_dma2 semaphore(%arg8 : memref<!tpu.dma_semaphore, #tpu.memory_space<semaphore_mem>>) src(%dma_wait3A_18 : memref<512xi32, #tpu.memory_space<hbm>>) dst(%dma_wait3A_17 : memref<512xi32, #tpu.memory_space<vmem>>)
    %dma_wait3A_19 = arith.constant 512 : i32
    %dma_wait3A_20 = tpu.memref_slice %arg6[%dma_wait3A_19] : memref<1024xi32, #tpu.memory_space<vmem>> -> memref<512xi32, #tpu.memory_space<vmem>>
    %dma_wait3A_21 = tpu.memref_slice %arg4[%mul3A_2] : memref<16384xi32, #tpu.memory_space<hbm>> -> memref<512xi32, #tpu.memory_space<hbm>>
    %dma_wait3A_22 = arith.constant 512 : i32
    %dma_wait3A_23 = tpu.memref_slice %arg6[%dma_wait3A_22] : memref<1024xi32, #tpu.memory_space<vmem>> -> memref<512xi32, #tpu.memory_space<vmem>>
    %dma_wait3A_24 = tpu.memref_slice %arg4[%mul3A_2] : memref<16384xi32, #tpu.memory_space<hbm>> -> memref<512xi32, #tpu.memory_space<hbm>>
    tpu.wait_dma2 semaphore(%arg8 : memref<!tpu.dma_semaphore, #tpu.memory_space<semaphore_mem>>) src(%dma_wait3A_24 : memref<512xi32, #tpu.memory_space<hbm>>) dst(%dma_wait3A_23 : memref<512xi32, #tpu.memory_space<vmem>>)
    %dma_start3A_25 = arith.constant 0 : i32
    %dma_start3A_26 = tpu.memref_slice %arg7[%dma_start3A_25] : memref<1024xf32, #tpu.memory_space<vmem>> -> memref<256xf32, #tpu.memory_space<vmem>>
    %dma_start3A_27 = arith.constant 0 : i32
    %dma_start3A_28 = tpu.memref_slice %arg6[%dma_start3A_27] : memref<1024xi32, #tpu.memory_space<vmem>> -> memref<256xi32, #tpu.memory_space<vmem>>
    %dma_start3A_29 = arith.constant 0 : i32
    %dma_start3A_30 = tpu.memref_slice %arg2[%dma_start3A_29] : memref<1000000xf32, #tpu.memory_space<hbm>> -> memref<1000000xf32, #tpu.memory_space<hbm>>
    tpu.enqueue_indirect_dma source(%dma_start3A_30 : memref<1000000xf32, #tpu.memory_space<hbm>>) target(%dma_start3A_26 : memref<256xf32, #tpu.memory_space<vmem>>) offsets(%dma_start3A_28 : memref<256xi32, #tpu.memory_space<vmem>>) semaphore(%arg9 : memref<!tpu.dma_semaphore, #tpu.memory_space<semaphore_mem>>)
    %dma_start3A_31 = arith.constant 512 : i32
    %dma_start3A_32 = tpu.memref_slice %arg7[%dma_start3A_31] : memref<1024xf32, #tpu.memory_space<vmem>> -> memref<256xf32, #tpu.memory_space<vmem>>
    %dma_start3A_33 = arith.constant 512 : i32
    %dma_start3A_34 = tpu.memref_slice %arg6[%dma_start3A_33] : memref<1024xi32, #tpu.memory_space<vmem>> -> memref<256xi32, #tpu.memory_space<vmem>>
    %dma_start3A_35 = arith.constant 0 : i32
    %dma_start3A_36 = tpu.memref_slice %arg2[%dma_start3A_35] : memref<1000000xf32, #tpu.memory_space<hbm>> -> memref<1000000xf32, #tpu.memory_space<hbm>>
    tpu.enqueue_indirect_dma source(%dma_start3A_36 : memref<1000000xf32, #tpu.memory_space<hbm>>) target(%dma_start3A_32 : memref<256xf32, #tpu.memory_space<vmem>>) offsets(%dma_start3A_34 : memref<256xi32, #tpu.memory_space<vmem>>) semaphore(%arg9 : memref<!tpu.dma_semaphore, #tpu.memory_space<semaphore_mem>>)
    %dma_start3A_37 = arith.constant 256 : i32
    %dma_start3A_38 = tpu.memref_slice %arg7[%dma_start3A_37] : memref<1024xf32, #tpu.memory_space<vmem>> -> memref<256xf32, #tpu.memory_space<vmem>>
    %dma_start3A_39 = arith.constant 256 : i32
    %dma_start3A_40 = tpu.memref_slice %arg6[%dma_start3A_39] : memref<1024xi32, #tpu.memory_space<vmem>> -> memref<256xi32, #tpu.memory_space<vmem>>
    %dma_start3A_41 = arith.constant 0 : i32
    %dma_start3A_42 = tpu.memref_slice %arg2[%dma_start3A_41] : memref<1000000xf32, #tpu.memory_space<hbm>> -> memref<1000000xf32, #tpu.memory_space<hbm>>
    tpu.enqueue_indirect_dma source(%dma_start3A_42 : memref<1000000xf32, #tpu.memory_space<hbm>>) target(%dma_start3A_38 : memref<256xf32, #tpu.memory_space<vmem>>) offsets(%dma_start3A_40 : memref<256xi32, #tpu.memory_space<vmem>>) semaphore(%arg10 : memref<!tpu.dma_semaphore, #tpu.memory_space<semaphore_mem>>)
    %dma_start3A_43 = arith.constant 768 : i32
    %dma_start3A_44 = tpu.memref_slice %arg7[%dma_start3A_43] : memref<1024xf32, #tpu.memory_space<vmem>> -> memref<256xf32, #tpu.memory_space<vmem>>
    %dma_start3A_45 = arith.constant 768 : i32
    %dma_start3A_46 = tpu.memref_slice %arg6[%dma_start3A_45] : memref<1024xi32, #tpu.memory_space<vmem>> -> memref<256xi32, #tpu.memory_space<vmem>>
    %dma_start3A_47 = arith.constant 0 : i32
    %dma_start3A_48 = tpu.memref_slice %arg2[%dma_start3A_47] : memref<1000000xf32, #tpu.memory_space<hbm>> -> memref<1000000xf32, #tpu.memory_space<hbm>>
    tpu.enqueue_indirect_dma source(%dma_start3A_48 : memref<1000000xf32, #tpu.memory_space<hbm>>) target(%dma_start3A_44 : memref<256xf32, #tpu.memory_space<vmem>>) offsets(%dma_start3A_46 : memref<256xi32, #tpu.memory_space<vmem>>) semaphore(%arg10 : memref<!tpu.dma_semaphore, #tpu.memory_space<semaphore_mem>>)
    %dma_wait3A_49 = arith.constant 0 : i32
    %dma_wait3A_50 = tpu.memref_slice %arg7[%dma_wait3A_49] : memref<1024xf32, #tpu.memory_space<vmem>> -> memref<256xf32, #tpu.memory_space<vmem>>
    %dma_wait3A_51 = arith.constant 0 : i32
    %dma_wait3A_52 = tpu.memref_slice %arg6[%dma_wait3A_51] : memref<1024xi32, #tpu.memory_space<vmem>> -> memref<256xi32, #tpu.memory_space<vmem>>
    %dma_wait3A_53 = arith.constant 0 : i32
    %dma_wait3A_54 = tpu.memref_slice %arg2[%dma_wait3A_53] : memref<1000000xf32, #tpu.memory_space<hbm>> -> memref<1000000xf32, #tpu.memory_space<hbm>>
    tpu.wait_indirect_dma semaphore(%arg9 : memref<!tpu.dma_semaphore, #tpu.memory_space<semaphore_mem>>) src(%dma_wait3A_54 : memref<1000000xf32, #tpu.memory_space<hbm>>) dst(%dma_wait3A_50 : memref<256xf32, #tpu.memory_space<vmem>>)
    %dma_wait3A_55 = arith.constant 512 : i32
    %dma_wait3A_56 = tpu.memref_slice %arg7[%dma_wait3A_55] : memref<1024xf32, #tpu.memory_space<vmem>> -> memref<256xf32, #tpu.memory_space<vmem>>
    %dma_wait3A_57 = arith.constant 512 : i32
    %dma_wait3A_58 = tpu.memref_slice %arg6[%dma_wait3A_57] : memref<1024xi32, #tpu.memory_space<vmem>> -> memref<256xi32, #tpu.memory_space<vmem>>
    %dma_wait3A_59 = arith.constant 0 : i32
    %dma_wait3A_60 = tpu.memref_slice %arg2[%dma_wait3A_59] : memref<1000000xf32, #tpu.memory_space<hbm>> -> memref<1000000xf32, #tpu.memory_space<hbm>>
    tpu.wait_indirect_dma semaphore(%arg9 : memref<!tpu.dma_semaphore, #tpu.memory_space<semaphore_mem>>) src(%dma_wait3A_60 : memref<1000000xf32, #tpu.memory_space<hbm>>) dst(%dma_wait3A_56 : memref<256xf32, #tpu.memory_space<vmem>>)
    %parallel_loop3A = arith.constant 0 : i32
    %parallel_loop3A_61 = arith.constant 16 : i32
    %parallel_loop3A_62 = arith.constant 1 : i32
    scf.for %parallel_loop3A_104 = %parallel_loop3A to %parallel_loop3A_61 step %parallel_loop3A_62  : i32 {
      %parallel_loop3A_105 = arith.constant 16 : i32
      %parallel_loop3A_106 = arith.muli %parallel_loop3A_104, %parallel_loop3A_105 : i32
      %parallel_loop3A_107 = arith.index_cast %parallel_loop3A_106 : i32 to index
      %parallel_loop3A_108 = tpu.vector_load %arg7[%parallel_loop3A_107] {strides = array<i32>} : memref<1024xf32, #tpu.memory_space<vmem>>, vector<16xf32>,
      %parallel_loop3A_109 = vector.shape_cast %parallel_loop3A_108 : vector<16xf32> to vector<16xf32>
      %parallel_loop3A_110 = arith.constant 16 : i32
      %parallel_loop3A_111 = arith.muli %parallel_loop3A_104, %parallel_loop3A_110 : i32
      %parallel_loop3A_112 = arith.constant 512 : i32
      %parallel_loop3A_113 = arith.addi %parallel_loop3A_112, %parallel_loop3A_111 : i32
      %parallel_loop3A_114 = arith.index_cast %parallel_loop3A_113 : i32 to index
      %parallel_loop3A_115 = tpu.vector_load %arg7[%parallel_loop3A_114] {strides = array<i32>} : memref<1024xf32, #tpu.memory_space<vmem>>, vector<16xf32>,
      %parallel_loop3A_116 = vector.shape_cast %parallel_loop3A_115 : vector<16xf32> to vector<16xf32>
      %parallel_loop3A_117 = arith.subf %parallel_loop3A_109, %parallel_loop3A_116 : vector<16xf32>
      %parallel_loop3A_118 = arith.constant 0.00575646292 : f32
      %parallel_loop3A_119 = vector.broadcast %parallel_loop3A_118 : f32 to vector<16xf32>
      %parallel_loop3A_120 = arith.mulf %parallel_loop3A_117, %parallel_loop3A_119 : vector<16xf32>
      %parallel_loop3A_121 = math.exp %parallel_loop3A_120 : vector<16xf32>
      %parallel_loop3A_122 = arith.constant 1.000000e+00 : f32
      %parallel_loop3A_123 = vector.broadcast %parallel_loop3A_122 : f32 to vector<16xf32>
      %parallel_loop3A_124 = arith.addf %parallel_loop3A_123, %parallel_loop3A_121 : vector<16xf32>
      %parallel_loop3A_125 = arith.constant 1.000000e+00 : f32
      %parallel_loop3A_126 = vector.broadcast %parallel_loop3A_125 : f32 to vector<16xf32>
      %parallel_loop3A_127 = arith.divf %parallel_loop3A_126, %parallel_loop3A_124 : vector<16xf32>
      %parallel_loop3A_128 = arith.index_cast %parallel_loop3A_106 : i32 to index
      %parallel_loop3A_129 = tpu.vector_load %arg7[%parallel_loop3A_128] {strides = array<i32>} : memref<1024xf32, #tpu.memory_space<vmem>>, vector<16xf32>,
      %parallel_loop3A_130 = vector.shape_cast %parallel_loop3A_129 : vector<16xf32> to vector<16xf32>
      %parallel_loop3A_131 = vector.shape_cast %parallel_loop3A_127 : vector<16xf32> to vector<16xf32>
      tpu.vector_store %arg7[%parallel_loop3A_128], %parallel_loop3A_131 {strides = array<i32>} : memref<1024xf32, #tpu.memory_space<vmem>>, vector<16xf32>,
    } {sc.loop_unroll_factor = 4 : i64, sc.parallel_access}
    %dma_start3A_63 = arith.constant 0 : i32
    %dma_start3A_64 = tpu.memref_slice %arg7[%dma_start3A_63] : memref<1024xf32, #tpu.memory_space<vmem>> -> memref<256xf32, #tpu.memory_space<vmem>>
    %dma_start3A_65 = tpu.memref_slice %arg5[%mul3A_2] : memref<16384xf32, #tpu.memory_space<hbm>> -> memref<256xf32, #tpu.memory_space<hbm>>
    %dma_start3A_66 = tpu.memref_slice %arg5[%mul3A_2] : memref<16384xf32, #tpu.memory_space<hbm>> -> memref<256xf32, #tpu.memory_space<hbm>>
    %dma_start3A_67 = arith.constant 0 : i32
    %dma_start3A_68 = tpu.memref_slice %arg7[%dma_start3A_67] : memref<1024xf32, #tpu.memory_space<vmem>> -> memref<256xf32, #tpu.memory_space<vmem>>
    tpu.enqueue_dma source(%dma_start3A_68 : memref<256xf32, #tpu.memory_space<vmem>>) target(%dma_start3A_66 : memref<256xf32, #tpu.memory_space<hbm>>) target_semaphore(%arg8 : memref<!tpu.dma_semaphore, #tpu.memory_space<semaphore_mem>>)
    %dma_wait3A_69 = arith.constant 256 : i32
    %dma_wait3A_70 = tpu.memref_slice %arg7[%dma_wait3A_69] : memref<1024xf32, #tpu.memory_space<vmem>> -> memref<256xf32, #tpu.memory_space<vmem>>
    %dma_wait3A_71 = arith.constant 256 : i32
    %dma_wait3A_72 = tpu.memref_slice %arg6[%dma_wait3A_71] : memref<1024xi32, #tpu.memory_space<vmem>> -> memref<256xi32, #tpu.memory_space<vmem>>
    %dma_wait3A_73 = arith.constant 0 : i32
    %dma_wait3A_74 = tpu.memref_slice %arg2[%dma_wait3A_73] : memref<1000000xf32, #tpu.memory_space<hbm>> -> memref<1000000xf32, #tpu.memory_space<hbm>>
    tpu.wait_indirect_dma semaphore(%arg10 : memref<!tpu.dma_semaphore, #tpu.memory_space<semaphore_mem>>) src(%dma_wait3A_74 : memref<1000000xf32, #tpu.memory_space<hbm>>) dst(%dma_wait3A_70 : memref<256xf32, #tpu.memory_space<vmem>>)
    %dma_wait3A_75 = arith.constant 768 : i32
    %dma_wait3A_76 = tpu.memref_slice %arg7[%dma_wait3A_75] : memref<1024xf32, #tpu.memory_space<vmem>> -> memref<256xf32, #tpu.memory_space<vmem>>
    %dma_wait3A_77 = arith.constant 768 : i32
    %dma_wait3A_78 = tpu.memref_slice %arg6[%dma_wait3A_77] : memref<1024xi32, #tpu.memory_space<vmem>> -> memref<256xi32, #tpu.memory_space<vmem>>
    %dma_wait3A_79 = arith.constant 0 : i32
    %dma_wait3A_80 = tpu.memref_slice %arg2[%dma_wait3A_79] : memref<1000000xf32, #tpu.memory_space<hbm>> -> memref<1000000xf32, #tpu.memory_space<hbm>>
    tpu.wait_indirect_dma semaphore(%arg10 : memref<!tpu.dma_semaphore, #tpu.memory_space<semaphore_mem>>) src(%dma_wait3A_80 : memref<1000000xf32, #tpu.memory_space<hbm>>) dst(%dma_wait3A_76 : memref<256xf32, #tpu.memory_space<vmem>>)
    %parallel_loop3A_81 = arith.constant 16 : i32
    %parallel_loop3A_82 = arith.constant 32 : i32
    %parallel_loop3A_83 = arith.constant 1 : i32
    scf.for %parallel_loop3A_104 = %parallel_loop3A_81 to %parallel_loop3A_82 step %parallel_loop3A_83  : i32 {
      %parallel_loop3A_105 = arith.constant 16 : i32
      %parallel_loop3A_106 = arith.muli %parallel_loop3A_104, %parallel_loop3A_105 : i32
      %parallel_loop3A_107 = arith.index_cast %parallel_loop3A_106 : i32 to index
      %parallel_loop3A_108 = tpu.vector_load %arg7[%parallel_loop3A_107] {strides = array<i32>} : memref<1024xf32, #tpu.memory_space<vmem>>, vector<16xf32>,
      %parallel_loop3A_109 = vector.shape_cast %parallel_loop3A_108 : vector<16xf32> to vector<16xf32>
      %parallel_loop3A_110 = arith.constant 16 : i32
      %parallel_loop3A_111 = arith.muli %parallel_loop3A_104, %parallel_loop3A_110 : i32
      %parallel_loop3A_112 = arith.constant 512 : i32
      %parallel_loop3A_113 = arith.addi %parallel_loop3A_112, %parallel_loop3A_111 : i32
      %parallel_loop3A_114 = arith.index_cast %parallel_loop3A_113 : i32 to index
      %parallel_loop3A_115 = tpu.vector_load %arg7[%parallel_loop3A_114] {strides = array<i32>} : memref<1024xf32, #tpu.memory_space<vmem>>, vector<16xf32>,
      %parallel_loop3A_116 = vector.shape_cast %parallel_loop3A_115 : vector<16xf32> to vector<16xf32>
      %parallel_loop3A_117 = arith.subf %parallel_loop3A_109, %parallel_loop3A_116 : vector<16xf32>
      %parallel_loop3A_118 = arith.constant 0.00575646292 : f32
      %parallel_loop3A_119 = vector.broadcast %parallel_loop3A_118 : f32 to vector<16xf32>
      %parallel_loop3A_120 = arith.mulf %parallel_loop3A_117, %parallel_loop3A_119 : vector<16xf32>
      %parallel_loop3A_121 = math.exp %parallel_loop3A_120 : vector<16xf32>
      %parallel_loop3A_122 = arith.constant 1.000000e+00 : f32
      %parallel_loop3A_123 = vector.broadcast %parallel_loop3A_122 : f32 to vector<16xf32>
      %parallel_loop3A_124 = arith.addf %parallel_loop3A_123, %parallel_loop3A_121 : vector<16xf32>
      %parallel_loop3A_125 = arith.constant 1.000000e+00 : f32
      %parallel_loop3A_126 = vector.broadcast %parallel_loop3A_125 : f32 to vector<16xf32>
      %parallel_loop3A_127 = arith.divf %parallel_loop3A_126, %parallel_loop3A_124 : vector<16xf32>
      %parallel_loop3A_128 = arith.index_cast %parallel_loop3A_106 : i32 to index
      %parallel_loop3A_129 = tpu.vector_load %arg7[%parallel_loop3A_128] {strides = array<i32>} : memref<1024xf32, #tpu.memory_space<vmem>>, vector<16xf32>,
      %parallel_loop3A_130 = vector.shape_cast %parallel_loop3A_129 : vector<16xf32> to vector<16xf32>
      %parallel_loop3A_131 = vector.shape_cast %parallel_loop3A_127 : vector<16xf32> to vector<16xf32>
      tpu.vector_store %arg7[%parallel_loop3A_128], %parallel_loop3A_131 {strides = array<i32>} : memref<1024xf32, #tpu.memory_space<vmem>>, vector<16xf32>,
    } {sc.loop_unroll_factor = 4 : i64, sc.parallel_access}
    %add3A_84 = arith.constant 256 : i32
    %add3A_85 = arith.addi %mul3A_2, %add3A_84 : i32
    %dma_start3A_86 = arith.constant 256 : i32
    %dma_start3A_87 = tpu.memref_slice %arg7[%dma_start3A_86] : memref<1024xf32, #tpu.memory_space<vmem>> -> memref<256xf32, #tpu.memory_space<vmem>>
    %dma_start3A_88 = tpu.memref_slice %arg5[%add3A_85] : memref<16384xf32, #tpu.memory_space<hbm>> -> memref<256xf32, #tpu.memory_space<hbm>>
    %dma_start3A_89 = tpu.memref_slice %arg5[%add3A_85] : memref<16384xf32, #tpu.memory_space<hbm>> -> memref<256xf32, #tpu.memory_space<hbm>>
    %dma_start3A_90 = arith.constant 256 : i32
    %dma_start3A_91 = tpu.memref_slice %arg7[%dma_start3A_90] : memref<1024xf32, #tpu.memory_space<vmem>> -> memref<256xf32, #tpu.memory_space<vmem>>
    tpu.enqueue_dma source(%dma_start3A_91 : memref<256xf32, #tpu.memory_space<vmem>>) target(%dma_start3A_89 : memref<256xf32, #tpu.memory_space<hbm>>) target_semaphore(%arg8 : memref<!tpu.dma_semaphore, #tpu.memory_space<semaphore_mem>>)
    %dma_wait3A_92 = arith.constant 0 : i32
    %dma_wait3A_93 = tpu.memref_slice %arg7[%dma_wait3A_92] : memref<1024xf32, #tpu.memory_space<vmem>> -> memref<256xf32, #tpu.memory_space<vmem>>
    %dma_wait3A_94 = tpu.memref_slice %arg5[%mul3A_2] : memref<16384xf32, #tpu.memory_space<hbm>> -> memref<256xf32, #tpu.memory_space<hbm>>
    %dma_wait3A_95 = tpu.memref_slice %arg5[%mul3A_2] : memref<16384xf32, #tpu.memory_space<hbm>> -> memref<256xf32, #tpu.memory_space<hbm>>
    %dma_wait3A_96 = arith.constant 0 : i32
    %dma_wait3A_97 = tpu.memref_slice %arg7[%dma_wait3A_96] : memref<1024xf32, #tpu.memory_space<vmem>> -> memref<256xf32, #tpu.memory_space<vmem>>
    tpu.wait_dma2 semaphore(%arg8 : memref<!tpu.dma_semaphore, #tpu.memory_space<semaphore_mem>>) src(%dma_wait3A_97 : memref<256xf32, #tpu.memory_space<vmem>>) dst(%dma_wait3A_95 : memref<256xf32, #tpu.memory_space<hbm>>)
    %dma_wait3A_98 = arith.constant 256 : i32
    %dma_wait3A_99 = tpu.memref_slice %arg7[%dma_wait3A_98] : memref<1024xf32, #tpu.memory_space<vmem>> -> memref<256xf32, #tpu.memory_space<vmem>>
    %dma_wait3A_100 = tpu.memref_slice %arg5[%add3A_85] : memref<16384xf32, #tpu.memory_space<hbm>> -> memref<256xf32, #tpu.memory_space<hbm>>
    %dma_wait3A_101 = tpu.memref_slice %arg5[%add3A_85] : memref<16384xf32, #tpu.memory_space<hbm>> -> memref<256xf32, #tpu.memory_space<hbm>>
    %dma_wait3A_102 = arith.constant 256 : i32
    %dma_wait3A_103 = tpu.memref_slice %arg7[%dma_wait3A_102] : memref<1024xf32, #tpu.memory_space<vmem>> -> memref<256xf32, #tpu.memory_space<vmem>>
    tpu.wait_dma2 semaphore(%arg8 : memref<!tpu.dma_semaphore, #tpu.memory_space<semaphore_mem>>) src(%dma_wait3A_103 : memref<256xf32, #tpu.memory_space<vmem>>) dst(%dma_wait3A_101 : memref<256xf32, #tpu.memory_space<hbm>>)
    return
  }
}

</mosaic_0001>

<sc_bundles>
// kernel: kernel.3.cloned.1.call-start
scs
__scs_entry_jumppad:
0x0: {  	(pc) =	sbr.rel $0x88, $3  }
0x1: {  	(tag) =	ssettag $0x0;
	lr =	simm.s32 $0x1  }
0x2: {  	[smem:$0x3F9E] =	sst lr;
	_ =	strace $0xD0000000  }
0x3: {  	_ = 	snop  }
0x4: {  	_ = 	snop  }
0x5: {  	_ = 	snop  }
0x6: {  	_ = 	snop  }
0x7: {  	_ = 	snop  }
__scs_overlays_trampoline_lowered:
0x8: {  	[smem:$0x3FAD] =	sst s0  }
0x9: {  	[smem:$0x3FAE] =	sst s1  }
0xa: {  	[smem:$0x3FAF] =	sst s2  }
0xb: {  	[smem:$0x3FB0] =	sst s3  }
0xc: {  	[smem:$0x3FB1] =	sst s4  }
0xd: {  	[smem:$0x3FB2] =	sst s5  }
0xe: {  	[smem:$0x3FB3] =	sst s6  }
0xf: {  	[smem:$0x3FB4] =	sst s7  }
0x10: {  	[smem:$0x3FB5] =	sst s8  }
0x11: {  	[smem:$0x3FB6] =	sst s9;
	s0 =	simm.s32 @!p0 $0x0  }
0x12: {  	s1 =	sld [smem:$0x3F9C];
	s0 =	simm.s32 @p0 $0x1  }
0x13: {  	[smem:$0x3FB7] =	sst s0;
	s0 =	simm.s32 @!p1 $0x0  }
0x14: {  	s2 =	sld [smem:$0x3F9B];
	s0 =	simm.s32 @p1 $0x1  }
0x15: {  	[smem:$0x3FB8] =	sst s0;
	s0 =	simm.s32 @!p2 $0x0  }
0x16: {  	s3 =	sld [smem:$0x3FDB];
	s0 =	simm.s32 @p2 $0x1  }
0x17: {  	s4 =	simm.s32 $0x1BF5;
	[smem:$0x3FBA] =	sst s0  }
0x18: {  	s0 =	sld [smem:$0x3F9D];
	_ =	swait.ge [sflag:s4], $0x0  }
0x19: {  	s7 =	sld [smem:$0x3F9E]  }
0x1a: {  	s8 =	sadd.s32 $0xFFFFE003, lr  }
0x1b: {  	s9 =	sadd.s32 $0xFFFFFEF7, lr;
	s5 =	simm.s32 $0xFFFFFFFF;
	p2 =	slt.u32 s8, $0xFFFFF086  }
0x1c: {  	p1 =	slt.u32 s9, $0xF7A;
	s5 =	simm.s32 @!p2 $0x0  }
0x1d: {  	s5 =	simm.s32 @p1 $0x1;
	p0 =	seq.s32 s7, s2  }
0x1e: {  	s7 =	smul.u32 @!p0 $0xF7A, s2;
	p2 =	seq.s32 @!p0 s5, $0x0  }
0x1f: {  	s9 =	smul.u32 $0xF7A, s1;
	s8 =	simm.s32 @!p0 $0x1BF5;
	p2 =	por !p2, p0  }
0x20: {  	[sflag:s8] =	ssyncset.s32 @!p0 $0xFFFFF086;
	s6 =	sadd.s32 @!p0 s3, s7;
	s7 =	simm.s32 @!p0 $0x108  }
0x21: {  	s3 =	sadd.s32 s3, s9;
	s6 =	sadd.s32 @!p0 $0x88, s6;
	s7 =	simm.s32 @p2 $0x1082  }
0x22: {  	[simem:s7], [sflag:s8] =	dma.local @!p0 [hbm:s6], $0xF7A  }
0x23: {  	s9 =	sor.u32 $0xD0000000, s2;
	s6 =	simm.s32 $0x108;
	_ =	swait.ge @!p0 [sflag:s8], $0x0  }
0x24: {  	s3 =	sadd.s32 $0x88, s3;
	s6 =	simm.s32 @!p1 $0x1082;
	[sflag:s4] =	ssyncset.s32 $0xFFFFF086  }
0x25: {  	[simem:s6], [sflag:s4] =	dma.local [hbm:s3], $0xF7A  }
0x26: {  	[smem:$0x3F9E] =	sst s1;
	(tag) =	ssettag s2;
	_ =	strace s9  }
0x27: {  	s1 =	sld [smem:$0x3FAE]  }
0x28: {  	s2 =	sld [smem:$0x3FAF]  }
0x29: {  	s4 =	sld [smem:$0x3FB1]  }
0x2a: {  	p0 =	seq.s32 s5, $0x0;
	s5 =	sld [smem:$0x3FB2]  }
0x2b: {  	s6 =	sld [smem:$0x3FB3]  }
0x2c: {  	s7 =	sld [smem:$0x3FB4]  }
0x2d: {  	s3 =	simm.s32 $0x108;
	s8 =	sld [smem:$0x3FB5]  }
0x2e: {  	s3 =	simm.s32 @!p0 $0x1082;
	s9 =	sld [smem:$0x3FB6]  }
0x2f: {  	lr =	sadd.s32 s0, s3;
	s0 =	sld [smem:$0x3FAD]  }
0x30: {  	s3 =	sld [smem:$0x3FB0]  }
0x31: {  	[smem:$0x3FB9] =	sst s10  }
0x32: {  	s10 =	sld [smem:$0x3FB7];
	_ =	sdelay $0x3  }
0x33: {  	p0 =	seq.s32 s10, $0x1;
	s10 =	sld [smem:$0x3FB9];
	_ =	sdelay $0x3  }
0x34: {  	[smem:$0x3FB9] =	sst s10  }
0x35: {  	s10 =	sld [smem:$0x3FB8];
	_ =	sdelay $0x3  }
0x36: {  	p1 =	seq.s32 s10, $0x1;
	s10 =	sld [smem:$0x3FB9];
	_ =	sdelay $0x3  }
0x37: {  	[smem:$0x3FB9] =	sst s10  }
0x38: {  	s10 =	sld [smem:$0x3FBA]  }
0x39: {  	_ = 	snop;
	(pc) =	sbr.ind lr, $3  }
0x3a: {  	_ = 	snop  }
0x3b: {  	_ = 	snop  }
0x3c: {  	p2 =	seq.s32 s10, $0x1;
	s10 =	sld [smem:$0x3FB9]  }
0x3d: {  	_ =	shalt  }
0x3e: {  	_ =	shalt  }
0x3f: {  	_ =	shalt  }
0x40: {  	_ =	shalt  }
0x41: {  	_ =	shalt  }
0x42: {  	_ =	shalt  }
0x43: {  	_ =	shalt  }
0x44: {  	_ =	shalt  }
0x45: {  	_ =	shalt  }
0x46: {  	_ =	shalt  }
0x47: {  	_ =	shalt  }
0x48: {  	_ =	shalt  }
0x49: {  	_ =	shalt  }
0x4a: {  	_ =	shalt  }
0x4b: {  	_ =	shalt  }
0x4c: {  	_ =	shalt  }
0x4d: {  	_ =	shalt  }
0x4e: {  	_ =	shalt  }
0x4f: {  	_ =	shalt  }
0x50: {  	_ =	shalt  }
0x51: {  	_ =	shalt  }
0x52: {  	_ =	shalt  }
0x53: {  	_ =	shalt  }
0x54: {  	_ =	shalt  }
0x55: {  	_ =	shalt  }
0x56: {  	_ =	shalt  }
0x57: {  	_ =	shalt  }
0x58: {  	_ =	shalt  }
0x59: {  	_ =	shalt  }
0x5a: {  	_ =	shalt  }
0x5b: {  	_ =	shalt  }
0x5c: {  	_ =	shalt  }
0x5d: {  	_ =	shalt  }
0x5e: {  	_ =	shalt  }
0x5f: {  	_ =	shalt  }
0x60: {  	_ =	shalt  }
0x61: {  	_ =	shalt  }
0x62: {  	_ =	shalt  }
0x63: {  	_ =	shalt  }
0x64: {  	_ =	shalt  }
0x65: {  	_ =	shalt  }
0x66: {  	_ =	shalt  }
0x67: {  	_ =	shalt  }
0x68: {  	_ =	shalt  }
0x69: {  	_ =	shalt  }
0x6a: {  	_ =	shalt  }
0x6b: {  	_ =	shalt  }
0x6c: {  	_ =	shalt  }
0x6d: {  	_ =	shalt  }
0x6e: {  	_ =	shalt  }
0x6f: {  	_ =	shalt  }
0x70: {  	_ =	shalt  }
0x71: {  	_ =	shalt  }
0x72: {  	_ =	shalt  }
0x73: {  	_ =	shalt  }
0x74: {  	_ =	shalt  }
0x75: {  	_ =	shalt  }
0x76: {  	_ =	shalt  }
0x77: {  	_ =	shalt  }
0x78: {  	_ =	shalt  }
0x79: {  	_ =	shalt  }
0x7a: {  	_ =	shalt  }
0x7b: {  	_ =	shalt  }
0x7c: {  	_ =	shalt  }
0x7d: {  	_ =	shalt  }
0x7e: {  	_ =	shalt  }
0x7f: {  	_ =	shalt  }
0x80: {  	_ =	shalt  }
0x81: {  	_ =	shalt  }
0x82: {  	_ =	shalt  }
0x83: {  	_ =	shalt  }
0x84: {  	_ =	shalt  }
0x85: {  	_ =	shalt  }
0x86: {  	_ =	shalt  }
0x87: {  	_ =	shalt  }
.Lfunc_end0:
.L_simem_size_0:
called_computation_lowered:
.L_overlay_start_0:
0x88: {  	s2 =	sld [smem:$0x3FD9]  }
0x89: {  	s3 =	sld [smem:$0x3FFE];
	_ =	sdelay $0x1  }
0x8a: {  	s1 =	srdreg.scid  }
0x8b: {  	s0 =	sand.u32 $0x1, s1  }
0x8c: {  	s18 =	sshll.u32 s0, $0xA;
	s2 =	sadd.s32 s3, s2  }
0x8d: {  	s2 =	sadd.s32 s2, s18  }
0x8e: {  	[smem:$0x3FC5] =	sst s2  }
0x8f: {  	_ = 	snop  }
0x90: {  	s2 =	sld [smem:$0x3FC9]  }
0x91: {  	s19 =	sld [smem:$0x3FC8]  }
0x92: {  	s4 =	sld [smem:$0x3FC7]  }
0x93: {  	s5 =	sld [smem:$0x3FD0];
	(tm) =	ssettm $0x1  }
0x94: {  	s6 =	sld [smem:$0x3FFB];
	_ =	sdelay $0x3  }
0x95: {  	_ =	strace s6  }
0x96: {  	s6 =	sld [smem:$0x3FFC];
	_ =	sdelay $0x3  }
0x97: {  	_ =	strace s6  }
0x98: {  	s6 =	sld [smem:$0x3FFD];
	_ =	sdelay $0x3  }
0x99: {  	_ =	strace s6  }
0x9a: {  	_ =	strace $0x8FFFFFFF  }
0x9b: {  	s20 =	sld [smem:$0x3FDB];
	_ =	sdelay $0x1  }
0x9c: {  	s7 =	simm.s32 $_scs_section_size  }
0x9d: {  	s8 =	simm.s32 $_size__tile_overlayer_lowered;
	s9 =	simm.s32 $_tile_overlayer_lowered  }
0x9e: {  	s23 =	simm.s32 $0x1BFF;
	s22 =	sshll.u32 s9, $0x1;
	s6 =	sadd.s32 s7, s20  }
0x9f: {  	s10 =	simm.s32 $0x0;
	s21 =	sshll.u32 s8, $0x1;
	s8 =	sadd.s32 s22, s6  }
0xa0: {  	[timem:s10], [sflag:s23] =	dma.local [hbm:s8], s21  }
0xa1: {  	_ =	swait.ge [sflag:s23], s21  }
0xa2: {  	s7 =	ssub.s32 $0x0, s21;
	[sflag:s23] =	ssyncset.done $0x0  }
0xa3: {  	[sflag:s23] =	ssyncadd.s32 s7;
	_ =	sdelay $0x1  }
0xa4: {  	s24 =	simm.s32 $0x1B8B  }
0xa5: {  	_ =	swait.ge [sflag:s24], $0x1  }
0xa6: {  	[sflag:s24] =	ssyncset.done $0x0  }
0xa7: {  	s25 =	simm.s32 $0x1B8E;
	[sflag:s24] =	ssyncadd.s32 $0xFFFFFFFF  }
0xa8: {  	s26 =	simm.s32 $execute0_lowered;
	[smem:$0x3FD2] =	sst s25  }
0xa9: {  	s7 =	sshll.u32 s26, $0x1;
	_ =	strace $0x80000046;
	[dreg:$0x1] =	wrdreg $0xFFFFFFFF  }
0xaa: {  	s28 =	simm.s32 $_size_execute0_lowered;
	s6 =	sadd.s32 s6, s7;
	[dreg:$0x0] =	wrdreg $0x0  }
0xab: {  	s7 =	sshll.u32 s28, $0x1;
	[dreg:$0x2] =	wrdreg s6  }
0xac: {  	[dreg:$0x3] =	wrdreg s7  }
0xad: {  	[dreg:$0x4] =	wrdreg $0xC0  }
0xae: {  	_ =	task [dreg:s10], $0x5FFFF  }
0xaf: {  	[dreg:$0x1] =	wrdreg $0xFFFFFFFF  }
0xb0: {  	[dreg:$0x0] =	wrdreg $0x60  }
0xb1: {  	[dreg:$0x2] =	wrdreg s2  }
0xb2: {  	[dreg:$0x3] =	wrdreg s19  }
0xb3: {  	[dreg:$0x4] =	wrdreg s4  }
0xb4: {  	[dreg:$0x5] =	wrdreg s5  }
0xb5: {  	[dreg:$0x6] =	wrdreg $0x9  }
0xb6: {  	_ =	task.clear_ibuf [dreg:s10], $0x7FFFF;
	_ =	strace $0x90000046  }
0xb7: {  	s29 =	simm.s32 $0x9;
	_ =	strace $0x80000048  }
0xb8: {  	_ =	swait.ge [sflag:s29], $0x1  }
0xb9: {  	[sflag:s29] =	ssyncadd.s32 $0xFFFFFFFF  }
0xba: {  	_ =	strace $0x90000048  }
0xbb: {  	_ =	sfence  }
0xbc: {  	s30 =	sld [smem:$0x0];
	_ =	sdelay $0x2  }
0xbd: {  	s31 =	sshll.u32 s1, $0xD;
	s1 =	sshrl.u32 s1, $0x2  }
0xbe: {  	s3 =	sand.u32 $0x4000, s31;
	s1 =	sadd.s32 s1, s30  }
0xbf: {  	s0 =	sor.u32 s3, s0;
	s1 =	sshll.u32 s1, $0x11  }
0xc0: {  	s0 =	sor.u32 s1, s0  }
0xc1: {  	s0 =	sadd.s32 $0x8F2B, s0  }
0xc2: {  	[sflag:s0] =	ssyncadd.remote.s32 $0x1  }
0xc3: {  	_ =	sfence.sel $0xFFFF  }
0xc4: {  	[dreg:$0x0] =	wrdreg $0xFFFFFFFF;
	(pc) =	sbr.abs _section_cstart, $3  }
0xc5: {  	[dreg:$0x1] =	wrdreg $0xFFFFFFFF  }
0xc6: {  	_ =	task.clear_ibuf [dreg:s10], $0x2FFFF;
	_ =	strace $0x9FFFFFFF  }
0xc7: {  	(tm) =	ssettm $0x7FFFFFFF  }
tec
execute0_lowered:
.L_overlay_start_1:
0x0: {  	(tag) =	ssettag $0x1  }
0x1: {  	s1 =	rddreg [dreg:$0x0]  }
0x2: {  	s5 =	rddreg [dreg:$0x1]  }
0x3: {  	s6 =	rddreg [dreg:$0x2]  }
0x4: {  	s4 =	rddreg [dreg:$0x3]  }
0x5: {  	s0 =	rddreg [dreg:$0x4];
	s7 =	srdreg.scid  }
0x6: {  	s3 =	simm.s32 $0x0;
	s2 =	stileid.u32;
	s11 =	simm.s32 $0x100  }
0x7: {  	s12 =	simm.s32 $0x600;
	s13 =	simm.s32 $0x500;
	s14 =	simm.s32 $0x300  }
0x8: {  	s15 =	simm.s32 $0x700;
	s16 =	simm.s32 $0x2;
	s17 =	simm.s32 $0x400  }
0x9: {  	s18 =	simm.s32 $0x3;
	s19 =	simm.s32 $0x0;
	s7 =	sand.u32 $0x1, s7  }
0xa: {  	s9 =	sshll.u32 s2, $0x7;
	[smem:$0x7FF] =	sst s3;
	s8 =	ssub.s32 $0x2, s7  }
0xb: {  	s7 =	sshll.u32 s7, $0x6;
	_ =	strace $0x80000047;
	s10 =	sshrl.u32 s8, $0x1  }
0xc: {  	s7 =	sor.u32 s7, s9;
	s9 =	simm.s32 $0x200;
	s8 =	ssub.s32 s8, s10  }
0xd: {  	s4 =	sadd.s32 s4, s7;
	s5 =	sadd.s32 s5, s7;
	s6 =	sadd.s32 s6, s7  }
0xe: {  	s10 =	simm.s32 $0x1;
	s7 =	sadd.s32 $0x20, s4;
	s8 =	smax.u32 s8, $0x1  }
.LBB2_1:
0xf: {  	[tilespmem:s3], [sflag:$0x1] =	stream.linear.gather [hbm4b:s5+s3], $0x200, $0x38;
	[tilespmem:$0x800] =	vst v63  }
0x10: {  	_ = 	snop  }
0x11: {  	[tilespmem:s9], [sflag:$0x1] =	stream.linear.gather [hbm4b:s6+s3], $0x200, $0x38;
	[tilespmem:$0x800] =	vst v63  }
0x12: {  	_ =	swait.ge [sflag:s10], $0x200  }
0x13: {  	[sflag:s10] =	ssyncset.done $0x0  }
0x14: {  	[sflag:s10] =	ssyncadd.s32 $0xFFFFFE00  }
0x15: {  	_ =	swait.ge [sflag:s10], $0x200  }
0x16: {  	[sflag:s10] =	ssyncset.done $0x0  }
0x17: {  	[sflag:s10] =	ssyncadd.s32 $0xFFFFFE00  }
0x18: {  	[tilespmem:s17], [sflag:$0x2] =	stream.indirect.gather [hbm4b:s1+s11], $0x1, s3, s11, $0xb8;
	[tilespmem:$0x800] =	vst v63  }
0x19: {  	_ = 	snop  }
0x1a: {  	[tilespmem:s12], [sflag:$0x2] =	stream.indirect.gather [hbm4b:s1+s11], $0x1, s9, s11, $0xb8;
	[tilespmem:$0x800] =	vst v63  }
0x1b: {  	_ = 	snop  }
0x1c: {  	[tilespmem:s13], [sflag:$0x3] =	stream.indirect.gather [hbm4b:s1+s11], $0x1, s11, s11, $0xb8;
	[tilespmem:$0x800] =	vst v63  }
0x1d: {  	_ = 	snop  }
0x1e: {  	[tilespmem:s15], [sflag:$0x3] =	stream.indirect.gather [hbm4b:s1+s11], $0x1, s14, s11, $0xb8;
	[tilespmem:$0x800] =	vst v63  }
0x1f: {  	_ =	swait.ge [sflag:s16], $0x100  }
0x20: {  	[sflag:s16] =	ssyncset.done $0x0  }
0x21: {  	[sflag:s16] =	ssyncadd.s32 $0xFFFFFF00  }
0x22: {  	_ =	swait.ge [sflag:s16], $0x100  }
0x23: {  	[sflag:s16] =	ssyncset.done $0x0  }
0x24: {  	[sflag:s16] =	ssyncadd.s32 $0xFFFFFF00  }
0x25: {  	s20 =	sand.u32 $0xC0, s3;
	v0 =	vld [tilespmem:s17+$0x0]  }
0x26: {  	v1 =	vld [tilespmem:s20+$0x600]  }
0x27: {  	v2 =	vld [tilespmem:s17+$0x10]  }
0x28: {  	v3 =	vld [tilespmem:s17+$0x210]  }
0x29: {  	v4 =	vld [tilespmem:s17+$0x20]  }
0x2a: {  	v5 =	vld [tilespmem:s17+$0x220]  }
0x2b: {  	v6 =	vld [tilespmem:s17+$0x230];
	v0 =	vsub.f32 v0, v1  }
0x2c: {  	s21 =	simm.s32 $0x40;
	v1 =	vld [tilespmem:s17+$0x30]  }
0x2d: {  	s21 =	sand.u32 $0xC0, s21;
	v2 =	vsub.f32 v2, v3;
	v0 =	vmul.f32 $5.756462920e-03, v0  }
0x2e: {  	s20 =	simm.s32 $0x440;
	v7 =	vld [tilespmem:s21+$0x600]  }
0x2f: {  	v3 =	vld [tilespmem:s20+$0x0];
	v2 =	vmul.f32 $5.756462920e-03, v2;
	v0 =	vmul.f32 $1.442695020e+00, v0  }
0x30: {  	v4 =	vsub.f32 v4, v5;
	v5 =	vld [tilespmem:s20+$0x210]  }
0x31: {  	v2 =	vmul.f32 $1.442695020e+00, v2;
	(erf) = vpow2.f32 v0;
	v0 =	vsub.f32 v1, v6;
	v1 =	vld [tilespmem:s20+$0x10]  }
0x32: {  	v4 =	vmul.f32 $5.756462920e-03, v4;
	v6 =	vld [tilespmem:s20+$0x20]  }
0x33: {  	(erf) = vpow2.f32 v2;
	v2 =	vld [tilespmem:s20+$0x220];
	v0 =	vmul.f32 $5.756462920e-03, v0  }
0x34: {  	v4 =	vmul.f32 $1.442695020e+00, v4;
	v3 =	vsub.f32 v3, v7  }
0x35: {  	v7 =	vld [tilespmem:s20+$0x30];
	v0 =	vmul.f32 $1.442695020e+00, v0  }
0x36: {  	v3 =	vmul.f32 $5.756462920e-03, v3;
	(erf) = vpow2.f32 v4;
	v4 =	vld [tilespmem:s20+$0x230]  }
0x37: {  	(erf) = vpow2.f32 v0;
	v0 =	vsub.f32 v1, v5  }
0x38: {  	s22 =	simm.s32 $0x80;
	s21 =	simm.s32 $0x480;
	v1 =	vmul.f32 $1.442695020e+00, v3;
	v2 =	vsub.f32 v6, v2  }
0x39: {  	s22 =	sand.u32 $0xC0, s22;
	v3 =	vld [tilespmem:s21+$0x0];
	v0 =	vmul.f32 $5.756462920e-03, v0  }
0x3a: {  	v6 =	vld [tilespmem:s22+$0x600];
	(erf) = vpow2.f32 v1;
	v1 =	vmul.f32 $5.756462920e-03, v2;
	v5 =	vpop (erf)  }
0x3b: {  	v2 =	vsub.f32 v7, v4;
	v5 =	vadd.f32 $1.000000000e+00, v5  }
0x3c: {  	v0 =	vmul.f32 $1.442695020e+00, v0;
	v1 =	vmul.f32 $1.442695020e+00, v1  }
0x3d: {  	v4 =	vld [tilespmem:s21+$0x10];
	v7 =	vpop (erf);
	v2 =	vmul.f32 $5.756462920e-03, v2;
	(erf) = vrcp.f32 v5  }
0x3e: {  	v7 =	vadd.f32 $1.000000000e+00, v7;
	v5 =	vld [tilespmem:s21+$0x210];
	(erf) = vpow2.f32 v0  }
0x3f: {  	v8 =	vld [tilespmem:s21+$0x20];
	v2 =	vmul.f32 $1.442695020e+00, v2;
	v0 =	vsub.f32 v3, v6;
	v3 =	vpop (erf);
	(erf) = vpow2.f32 v1  }
0x40: {  	v9 =	vld [tilespmem:s21+$0x220];
	v1 =	vadd.f32 $1.000000000e+00, v3;
	(erf) = vrcp.f32 v7  }
0x41: {  	v3 =	vpop (erf);
	v6 =	vmul.f32 $5.756462920e-03, v0;
	v0 =	vld [tilespmem:s21+$0x30];
	(erf) = vpow2.f32 v2  }
0x42: {  	v7 =	vadd.f32 $1.000000000e+00, v3;
	(erf) = vrcp.f32 v1;
	v1 =	vld [tilespmem:s21+$0x230]  }
0x43: {  	v2 =	vsub.f32 v4, v5  }
0x44: {  	s24 =	simm.s32 $0xC0;
	(erf) = vrcp.f32 v7  }
0x45: {  	s23 =	simm.s32 $0x8;
	s25 =	simm.s32 $0x4C0;
	s22 =	simm.s32 $0x400;
	v3 =	vmul.f32 $1.442695020e+00, v6;
	v4 =	vsub.f32 v8, v9;
	v5 =	vpop (erf);
	v2 =	vmul.f32 $5.756462920e-03, v2  }
.LBB2_2:
0x46: {  	v6 =	vld [tilespmem:s25+$0x0];
	s26 =	sand.u32 $0xC0, s24;
	s23 =	sadd.s32 $0x4, s23;
	v5 =	vadd.f32 $1.000000000e+00, v5;
	v7 =	vpop (erf)  }
0x47: {  	v8 =	vld [tilespmem:s26+$0x600];
	p0 =	slt.u32 s23, $0xC;
	v4 =	vmul.f32 $5.756462920e-03, v4;
	v0 =	vsub.f32 v0, v1;
	(erf) = vpow2.f32 v3;
	[tilespmem:s22+$0x0] =	vst v7  }
0x48: {  	v10 =	vmul.f32 $1.442695020e+00, v2;
	v3 =	vld [tilespmem:s25+$0x10];
	(erf) = vrcp.f32 v5;
	v2 =	vpop (erf)  }
0x49: {  	v5 =	vld [tilespmem:s25+$0x210];
	v12 =	vmul.f32 $1.442695020e+00, v4;
	v0 =	vmul.f32 $5.756462920e-03, v0;
	v13 =	vadd.f32 $1.000000000e+00, v2;
	v7 =	vpop (erf)  }
0x4a: {  	v9 =	vld [tilespmem:s25+$0x20];
	(erf) = vpow2.f32 v10;
	v7 =	vadd.f32 $1.000000000e+00, v7;
	v1 =	vpop (erf)  }
0x4b: {  	v10 =	vld [tilespmem:s25+$0x220];
	v11 =	vmul.f32 $1.442695020e+00, v0;
	(erf) = vpow2.f32 v12;
	v4 =	vpop (erf);
	[tilespmem:s22+$0x10] =	vst v1  }
.Ltmp0:
0x4c: {  	v6 =	vsub.f32 v6, v8;
	v0 =	vld [tilespmem:s25+$0x30];
	v4 =	vadd.f32 $1.000000000e+00, v4;
	(erf) = vrcp.f32 v13;
	v2 =	vpop (erf);
	(pc) =	sbr.rel @p0 .LBB2_2-.Ltmp0, $4  }
0x4d: {  	v1 =	vld [tilespmem:s25+$0x230];
	(erf) = vpow2.f32 v11;
	[tilespmem:s22+$0x20] =	vst v2;
	v2 =	vpop (erf)  }
0x4e: {  	v6 =	vmul.f32 $5.756462920e-03, v6;
	v8 =	vsub.f32 v3, v5;
	(erf) = vrcp.f32 v7;
	[tilespmem:s22+$0x30] =	vst v2;
	s22 =	smov.u32 s20;
	s20 =	smov.u32 s21;
	s21 =	smov.u32 s25  }
0x4f: {  	(erf) = vrcp.f32 v4  }
0x50: {  	s24 =	sadd.s32 $0x40, s24;
	s25 =	sadd.s32 $0x40, s25;
	v3 =	vmul.f32 $1.442695020e+00, v6;
	v2 =	vmul.f32 $5.756462920e-03, v8;
	v4 =	vsub.f32 v9, v10;
	v5 =	vpop (erf)  }
0x51: {  	_ = 	snop  }
0x52: {  	v0 =	vsub.f32 v0, v1  }
0x53: {  	v5 =	vadd.f32 $1.000000000e+00, v5;
	v4 =	vmul.f32 $5.756462920e-03, v4;
	(erf) = vpow2.f32 v3;
	v1 =	vpop (erf)  }
0x54: {  	v2 =	vmul.f32 $1.442695020e+00, v2;
	v3 =	vpop (erf);
	v0 =	vmul.f32 $5.756462920e-03, v0  }
0x55: {  	(erf) = vrcp.f32 v5;
	v4 =	vmul.f32 $1.442695020e+00, v4;
	v3 =	vadd.f32 $1.000000000e+00, v3  }
0x56: {  	(erf) = vpow2.f32 v2;
	v0 =	vmul.f32 $1.442695020e+00, v0  }
0x57: {  	(erf) = vpow2.f32 v4  }
0x58: {  	v2 =	vpop (erf);
	(erf) = vrcp.f32 v3  }
0x59: {  	v3 =	vpop (erf);
	(erf) = vpow2.f32 v0  }
0x5a: {  	v0 =	vpop (erf)  }
0x5b: {  	v4 =	vpop (erf)  }
0x5c: {  	v5 =	vpop (erf)  }
0x5d: {  	v6 =	vpop (erf)  }
0x5e: {  	v2 =	vadd.f32 $1.000000000e+00, v2;
	v7 =	vpop (erf)  }
0x5f: {  	v0 =	vadd.f32 $1.000000000e+00, v0;
	v8 =	vpop (erf)  }
0x60: {  	(erf) = vrcp.f32 v2;
	v2 =	vadd.f32 $1.000000000e+00, v6;
	v6 =	vpop (erf)  }
0x61: {  	(erf) = vrcp.f32 v0;
	v0 =	vadd.f32 $1.000000000e+00, v8;
	v62 =	vpop (erf)  }
0x62: {  	(erf) = vrcp.f32 v2;
	v2 =	vadd.f32 $1.000000000e+00, v6;
	v6 =	vpop (erf)  }
0x63: {  	(erf) = vrcp.f32 v0;
	v6 =	vadd.f32 $1.000000000e+00, v6  }
0x64: {  	[tilespmem:s22+$0x0] =	vst v1;
	(erf) = vrcp.f32 v2  }
0x65: {  	[tilespmem:s22+$0x10] =	vst v3;
	(erf) = vrcp.f32 v6  }
0x66: {  	[tilespmem:s22+$0x20] =	vst v4  }
0x67: {  	[tilespmem:s22+$0x30] =	vst v5  }
0x68: {  	[tilespmem:s20+$0x0] =	vst v7  }
0x69: {  	[tilespmem:s20+$0x10] =	vst v62;
	v0 =	vpop (erf)  }
0x6a: {  	[tilespmem:s20+$0x20] =	vst v0;
	v0 =	vpop (erf)  }
0x6b: {  	[tilespmem:s20+$0x30] =	vst v0;
	v0 =	vpop (erf)  }
0x6c: {  	[tilespmem:s21+$0x0] =	vst v0;
	v0 =	vpop (erf)  }
0x6d: {  	[tilespmem:s21+$0x10] =	vst v0;
	v0 =	vpop (erf)  }
0x6e: {  	[tilespmem:s21+$0x20] =	vst v0;
	v0 =	vpop (erf)  }
0x6f: {  	[tilespmem:s21+$0x30] =	vst v0  }
0x70: {  	[hbm4b:s4+s3] =	stream.linear.scatter [tilespmem:s17], [sflag:$0x1], $0x100, $0x38;
	[tilespmem:$0x800] =	vst v63  }
0x71: {  	_ =	swait.ge [sflag:s18], $0x100  }
0x72: {  	[sflag:s18] =	ssyncset.done $0x0  }
0x73: {  	[sflag:s18] =	ssyncadd.s32 $0xFFFFFF00  }
0x74: {  	_ =	swait.ge [sflag:s18], $0x100  }
0x75: {  	[sflag:s18] =	ssyncset.done $0x0  }
0x76: {  	s30 =	simm.s32 $0x100;
	s20 =	simm.s32 $0x710;
	[sflag:s18] =	ssyncadd.s32 $0xFFFFFF00  }
0x77: {  	s21 =	sand.u32 $0x1C0, s30;
	v0 =	vld [tilespmem:s20+$0xFFFFFDF0]  }
0x78: {  	v1 =	vld [tilespmem:s21+$0x600];
	_ =	sdelay $0x1  }
0x79: {  	v2 =	vld [tilespmem:s20+$0xFFFFFE00]  }
0x7a: {  	v3 =	vld [tilespmem:s20+$0x0]  }
0x7b: {  	v4 =	vld [tilespmem:s20+$0xFFFFFE10]  }
0x7c: {  	v5 =	vld [tilespmem:s20+$0x10];
	v0 =	vsub.f32 v0, v1  }
0x7d: {  	v6 =	vld [tilespmem:s20+$0x20]  }
0x7e: {  	v1 =	vld [tilespmem:s20+$0xFFFFFE20];
	v0 =	vmul.f32 $5.756462920e-03, v0;
	_ =	sdelay $0x1  }
0x7f: {  	s31 =	simm.s32 $0x140;
	s21 =	simm.s32 $0x750;
	v2 =	vsub.f32 v2, v3;
	v0 =	vmul.f32 $1.442695020e+00, v0  }
0x80: {  	s22 =	sand.u32 $0x1C0, s31;
	v3 =	vld [tilespmem:s21+$0xFFFFFDF0]  }
0x81: {  	v4 =	vsub.f32 v4, v5;
	v5 =	vld [tilespmem:s22+$0x600];
	v2 =	vmul.f32 $5.756462920e-03, v2;
	(erf) = vpow2.f32 v0  }
0x82: {  	v7 =	vld [tilespmem:s21+$0xFFFFFE10];
	v0 =	vsub.f32 v1, v6  }
0x83: {  	v4 =	vmul.f32 $5.756462920e-03, v4;
	v2 =	vmul.f32 $1.442695020e+00, v2;
	v1 =	vld [tilespmem:s21+$0xFFFFFE00]  }
0x84: {  	v6 =	vld [tilespmem:s21+$0x0];
	v0 =	vmul.f32 $5.756462920e-03, v0  }
0x85: {  	v4 =	vmul.f32 $1.442695020e+00, v4;
	(erf) = vpow2.f32 v2;
	v2 =	vld [tilespmem:s21+$0x10]  }
0x86: {  	v3 =	vsub.f32 v3, v5;
	v5 =	vld [tilespmem:s21+$0xFFFFFE20];
	v0 =	vmul.f32 $1.442695020e+00, v0  }
0x87: {  	(erf) = vpow2.f32 v4;
	v4 =	vld [tilespmem:s21+$0x20]  }
0x88: {  	(erf) = vpow2.f32 v0;
	v0 =	vmul.f32 $5.756462920e-03, v3  }
0x89: {  	s23 =	simm.s32 $0x180;
	s22 =	simm.s32 $0x790;
	v1 =	vsub.f32 v1, v6  }
0x8a: {  	s23 =	sand.u32 $0x1C0, s23;
	v6 =	vld [tilespmem:s22+$0xFFFFFDF0];
	v2 =	vsub.f32 v7, v2;
	v0 =	vmul.f32 $1.442695020e+00, v0;
	v3 =	vpop (erf)  }
0x8b: {  	v7 =	vld [tilespmem:s23+$0x600];
	v1 =	vmul.f32 $5.756462920e-03, v1;
	v3 =	vadd.f32 $1.000000000e+00, v3  }
0x8c: {  	v4 =	vsub.f32 v5, v4;
	v5 =	vld [tilespmem:s22+$0xFFFFFE00];
	v2 =	vmul.f32 $5.756462920e-03, v2;
	(erf) = vpow2.f32 v0  }
0x8d: {  	v0 =	vmul.f32 $1.442695020e+00, v1;
	(erf) = vrcp.f32 v3;
	v3 =	vld [tilespmem:s22+$0x0];
	_ =	sdelay $0x1  }
0x8e: {  	v4 =	vmul.f32 $5.756462920e-03, v4;
	v2 =	vmul.f32 $1.442695020e+00, v2;
	v1 =	vpop (erf)  }
0x8f: {  	v63 =	vld [tilespmem:s22+$0xFFFFFE10];
	v1 =	vadd.f32 $1.000000000e+00, v1;
	(erf) = vpow2.f32 v0  }
0x90: {  	v9 =	vld [tilespmem:s22+$0x10];
	v4 =	vmul.f32 $1.442695020e+00, v4;
	v6 =	vsub.f32 v6, v7;
	v0 =	vpop (erf);
	(erf) = vpow2.f32 v2  }
0x91: {  	v2 =	vadd.f32 $1.000000000e+00, v0;
	v0 =	vpop (erf);
	(erf) = vrcp.f32 v1;
	v1 =	vld [tilespmem:s22+$0x20];
	v5 =	vsub.f32 v5, v3  }
0x92: {  	v7 =	vadd.f32 $1.000000000e+00, v0;
	(erf) = vpow2.f32 v4;
	v0 =	vld [tilespmem:s22+$0xFFFFFE20]  }
0x93: {  	v4 =	vmul.f32 $5.756462920e-03, v6;
	(erf) = vrcp.f32 v2  }
0x94: {  	(erf) = vrcp.f32 v7  }
0x95: {  	s24 =	simm.s32 $0x1C0;
	s25 =	simm.s32 $0x7D0;
	s23 =	simm.s32 $0x18;
	v3 =	vmul.f32 $1.442695020e+00, v4;
	v4 =	vsub.f32 v63, v9;
	v2 =	vmul.f32 $5.756462920e-03, v5;
	v5 =	vpop (erf)  }
.LBB2_4:
0x96: {  	v6 =	vld [tilespmem:s25+$0xFFFFFDF0];
	s26 =	sand.u32 $0x1C0, s24;
	s23 =	sadd.s32 $0x4, s23;
	v5 =	vadd.f32 $1.000000000e+00, v5;
	v7 =	vpop (erf)  }
0x97: {  	v8 =	vld [tilespmem:s26+$0x600];
	p0 =	slt.u32 s23, $0x1C;
	v4 =	vmul.f32 $5.756462920e-03, v4;
	v0 =	vsub.f32 v0, v1;
	(erf) = vpow2.f32 v3;
	[tilespmem:s20+$0xFFFFFDF0] =	vst v7  }
0x98: {  	v10 =	vmul.f32 $1.442695020e+00, v2;
	v3 =	vld [tilespmem:s25+$0xFFFFFE00];
	(erf) = vrcp.f32 v5;
	v2 =	vpop (erf)  }
0x99: {  	v5 =	vld [tilespmem:s25+$0x0];
	v12 =	vmul.f32 $1.442695020e+00, v4;
	v0 =	vmul.f32 $5.756462920e-03, v0;
	v13 =	vadd.f32 $1.000000000e+00, v2;
	v7 =	vpop (erf)  }
0x9a: {  	v9 =	vld [tilespmem:s25+$0xFFFFFE10];
	(erf) = vpow2.f32 v10;
	v7 =	vadd.f32 $1.000000000e+00, v7;
	v1 =	vpop (erf)  }
0x9b: {  	v10 =	vld [tilespmem:s25+$0x10];
	v11 =	vmul.f32 $1.442695020e+00, v0;
	(erf) = vpow2.f32 v12;
	v4 =	vpop (erf);
	[tilespmem:s20+$0xFFFFFE00] =	vst v1  }
.Ltmp1:
0x9c: {  	v6 =	vsub.f32 v6, v8;
	v0 =	vld [tilespmem:s25+$0xFFFFFE20];
	v4 =	vadd.f32 $1.000000000e+00, v4;
	(erf) = vrcp.f32 v13;
	v2 =	vpop (erf);
	(pc) =	sbr.rel @p0 .LBB2_4-.Ltmp1, $4  }
0x9d: {  	v1 =	vld [tilespmem:s25+$0x20];
	(erf) = vpow2.f32 v11;
	[tilespmem:s20+$0xFFFFFE10] =	vst v2;
	v2 =	vpop (erf)  }
0x9e: {  	v6 =	vmul.f32 $5.756462920e-03, v6;
	v8 =	vsub.f32 v3, v5;
	(erf) = vrcp.f32 v7;
	[tilespmem:s20+$0xFFFFFE20] =	vst v2;
	s20 =	smov.u32 s21;
	s21 =	smov.u32 s22;
	s22 =	smov.u32 s25  }
0x9f: {  	(erf) = vrcp.f32 v4  }
0xa0: {  	s24 =	sadd.s32 $0x40, s24;
	s25 =	sadd.s32 $0x40, s25;
	v3 =	vmul.f32 $1.442695020e+00, v6;
	v2 =	vmul.f32 $5.756462920e-03, v8;
	v4 =	vsub.f32 v9, v10;
	v5 =	vpop (erf)  }
0xa1: {  	v5 =	vadd.f32 $1.000000000e+00, v5  }
0xa2: {  	v4 =	vmul.f32 $5.756462920e-03, v4;
	v0 =	vsub.f32 v0, v1;
	(erf) = vpow2.f32 v3  }
0xa3: {  	v44 =	vpop (erf);
	v2 =	vmul.f32 $1.442695020e+00, v2;
	(erf) = vrcp.f32 v5  }
0xa4: {  	v45 =	vpop (erf);
	v4 =	vmul.f32 $1.442695020e+00, v4;
	v0 =	vmul.f32 $5.756462920e-03, v0  }
0xa5: {  	v3 =	vadd.f32 $1.000000000e+00, v45;
	(erf) = vpow2.f32 v2  }
0xa6: {  	v0 =	vmul.f32 $1.442695020e+00, v0;
	(erf) = vpow2.f32 v4  }
0xa7: {  	v46 =	vpop (erf);
	(erf) = vrcp.f32 v3  }
0xa8: {  	v47 =	vpop (erf);
	(erf) = vpow2.f32 v0  }
0xa9: {  	v48 =	vpop (erf)  }
0xaa: {  	v49 =	vpop (erf)  }
0xab: {  	v50 =	vpop (erf)  }
0xac: {  	v6 =	vpop (erf)  }
0xad: {  	v2 =	vadd.f32 $1.000000000e+00, v46;
	v7 =	vpop (erf)  }
0xae: {  	v0 =	vadd.f32 $1.000000000e+00, v48;
	v8 =	vpop (erf)  }
0xaf: {  	(erf) = vrcp.f32 v2;
	v51 =	vadd.f32 $1.000000000e+00, v6;
	v52 =	vpop (erf)  }
0xb0: {  	(erf) = vrcp.f32 v0;
	v53 =	vadd.f32 $1.000000000e+00, v8;
	v54 =	vpop (erf)  }
0xb1: {  	(erf) = vrcp.f32 v51;
	v55 =	vadd.f32 $1.000000000e+00, v52;
	v56 =	vpop (erf)  }
0xb2: {  	(erf) = vrcp.f32 v53;
	v57 =	vadd.f32 $1.000000000e+00, v56  }
0xb3: {  	[tilespmem:s20+$0xFFFFFDF0] =	vst v44;
	(erf) = vrcp.f32 v55  }
0xb4: {  	[tilespmem:s20+$0xFFFFFE00] =	vst v47;
	(erf) = vrcp.f32 v57  }
0xb5: {  	[tilespmem:s20+$0xFFFFFE10] =	vst v49  }
0xb6: {  	[tilespmem:s20+$0xFFFFFE20] =	vst v50  }
0xb7: {  	[tilespmem:s21+$0xFFFFFDF0] =	vst v7  }
0xb8: {  	[tilespmem:s21+$0xFFFFFE00] =	vst v54;
	v58 =	vpop (erf)  }
0xb9: {  	[tilespmem:s21+$0xFFFFFE10] =	vst v58;
	v59 =	vpop (erf)  }
0xba: {  	[tilespmem:s21+$0xFFFFFE20] =	vst v59;
	v60 =	vpop (erf)  }
0xbb: {  	[tilespmem:s22+$0xFFFFFDF0] =	vst v60;
	v61 =	vpop (erf)  }
0xbc: {  	[tilespmem:s22+$0xFFFFFE00] =	vst v61;
	v62 =	vpop (erf)  }
0xbd: {  	[tilespmem:s22+$0xFFFFFE10] =	vst v62;
	v63 =	vpop (erf)  }
0xbe: {  	s19 =	sadd.s32 $0x1, s19;
	[tilespmem:s22+$0xFFFFFE20] =	vst v63  }
0xbf: {  	[hbm4b:s7+s3] =	stream.linear.scatter [tilespmem:s13], [sflag:$0x1], $0x100, $0x38;
	[tilespmem:$0x800] =	vst v63  }
0xc0: {  	p0 =	sne.s32 s19, s8;
	_ =	swait.ge [sflag:s10], $0x100  }
.Ltmp2:
0xc1: {  	[sflag:s10] =	ssyncset.done $0x0;
	(pc) =	sbr.rel @p0 .LBB2_1-.Ltmp2, $4  }
0xc2: {  	[sflag:s10] =	ssyncadd.s32 $0xFFFFFF00  }
0xc3: {  	_ =	swait.ge [sflag:s10], $0x100  }
0xc4: {  	[sflag:s10] =	ssyncset.done $0x0  }
0xc5: {  	[sflag:s10] =	ssyncadd.s32 $0xFFFFFF00  }
0xc6: {  	_ =	sfence.sel $0x180000  }
0xc7: {  	[bflag:$0x0] =	sbarrier.arrive $0xFFFF  }
0xc8: {  	p0 =	sne.s32 s2, $0x0;
	_ =	strace $0x90000047  }
0xc9: {  	s0 =	sadd.s32 @!p0 $0x100000, s0;
	[bflag:$0x2] =	sbarrier.arrive $0xFFFF  }
0xca: {  	[sflag:s0] =	ssyncadd.tile.s32 @!p0 $0x1;
	_ =	shalt  }
.Lfunc_end2:
_tile_overlayer_lowered:
.L_overlay_start_2:
0xcb: {  	(tag) =	ssettag $0x2  }
0xcc: {  	s0 =	rddreg [dreg:$0x0];
	s2 =	stileid.u32  }
0xcd: {  	s1 =	rddreg [dreg:$0x1];
	p0 =	sne.s32 s2, $0x0  }
0xce: {  	s3 =	rddreg [dreg:$0x2];
	[bflag:$0x3] =	sbarrier.arrive $0xFFFF;
	s2 =	simm.s32 @!p0 $0x1C04  }
0xcf: {  	[timem:s3], [sflag:s2] =	dma.local @!p0 [hbm:s0], s1  }
0xd0: {  	s0 =	simm.s32 @!p0 $0x4  }
0xd1: {  	_ =	swait.ge @!p0 [sflag:s0], s1  }
0xd2: {  	s1 =	ssub.s32 @!p0 $0x0, s1;
	[sflag:s0] =	ssyncset.done @!p0 $0x0  }
0xd3: {  	[sflag:s0] =	ssyncadd.s32 @!p0 s1  }
0xd4: {  	[bflag:$0x3] =	sbarrier.arrive $0xFFFF  }
0xd5: {  	_ =	shalt  }

</sc_bundles>
